<compile_context>
chip_gen: v7x
topology: tpu7x:2x2x1
jax: 0.10.2.dev20260603
libtpu: 0.0.44.dev20260713+nightly
codegen_flags: <defaults>
</compile_context>

<pallas_src>
import functools

import jax
import jax.numpy as jnp
from jax import lax
from jax.experimental import pallas as pl
from jax.experimental.pallas import tpu as pltpu
from jax.experimental.pallas import tpu_sc as plsc

K = 8
NSCALE = 12
NBLOCK = 3
NGRAPH = NSCALE // 2
TAU = 10.0
FEAT_INTERIM = 32

NP_PAD = 10240
KNN_TILE = 256
PAD_COORD = 1e30


def _knn_kernel(q_ref, xyt_ref, out_ref):
    t = pl.program_id(1)
    q = q_ref[0]
    qx = q[:, 0:1]
    qy = q[:, 1:2]
    X = xyt_ref[0, 0:1, :]
    Y = xyt_ref[0, 1:2, :]
    dx = qx - X
    dy = qy - Y
    d = dx * dx + dy * dy
    col = lax.broadcasted_iota(jnp.int32, (KNN_TILE, NP_PAD), 1)
    rowid = t * KNN_TILE + lax.broadcasted_iota(jnp.int32, (KNN_TILE, NP_PAD), 0)
    inf = jnp.float32(jnp.inf)
    d = jnp.where(col == rowid, inf, d)
    for k in range(K):
        idx = jnp.argmin(d, axis=1).astype(jnp.int32)
        out_ref[0, k, :] = idx
        d = jnp.where(col == idx[:, None], inf, d)


def _knn_pallas(d1_xy):
    Bv, Nv, _ = d1_xy.shape
    q = jnp.pad(d1_xy, ((0, 0), (0, NP_PAD - Nv), (0, 0)))
    xyt = jnp.pad(d1_xy.transpose(0, 2, 1), ((0, 0), (0, 0), (0, NP_PAD - Nv)),
                  constant_values=PAD_COORD)
    grid = (Bv, NP_PAD // KNN_TILE)
    nbr = pl.pallas_call(
        _knn_kernel,
        grid=grid,
        in_specs=[
            pl.BlockSpec((1, KNN_TILE, 2), lambda b, t: (b, t, 0)),
            pl.BlockSpec((1, 2, NP_PAD), lambda b, t: (b, 0, 0)),
        ],
        out_specs=pl.BlockSpec((1, K, KNN_TILE), lambda b, t: (b, 0, t)),
        out_shape=jax.ShapeDtypeStruct((Bv, K, NP_PAD), jnp.int32),
    )(q, xyt)
    return nbr[:, :, :Nv]


def _leaky(x):
    return jnp.where(x >= 0, x, 0.2 * x)


_NW = 32


@functools.partial(jax.jit, static_argnames=("chunk",))
def _sc_gather(table, idx, chunk=1000):
    L = idx.shape[0]
    W = table.shape[1]
    lw = L // _NW
    nchunk = lw // chunk
    mesh = plsc.VectorSubcoreMesh(core_axis_name="c", subcore_axis_name="s")

    @functools.partial(
        pl.kernel,
        out_type=jax.ShapeDtypeStruct((L, W), jnp.float32),
        mesh=mesh,
        scratch_types=[
            pltpu.VMEM((chunk,), jnp.int32),
            pltpu.VMEM((chunk, W), jnp.float32),
            pltpu.SemaphoreType.DMA,
        ],
        compiler_params=pltpu.CompilerParams(use_tc_tiling_on_sc=False),
    )
    def k(table_hbm, idx_hbm, out_hbm, idx_v, rows_v, sem):
        wid = lax.axis_index("s") * 2 + lax.axis_index("c")
        base = wid * lw
        for c in range(nchunk):
            b0 = base + c * chunk
            pltpu.sync_copy(idx_hbm.at[pl.ds(b0, chunk)], idx_v)
            pltpu.async_copy(table_hbm.at[idx_v], rows_v, sem).wait()
            pltpu.sync_copy(rows_v, out_hbm.at[pl.ds(b0, chunk)])

    return k(table, idx)


def _pad_w(w):
    return ((w + 15) // 16) * 16


_ROW_T = 2000


def _table_kernel(x_ref, w_ref, b_ref, asrc_ref, adst_ref, out_ref, *, fout, wg):
    x = x_ref[...]
    h = jnp.dot(x, w_ref[...], preferred_element_type=jnp.float32) + b_ref[...]
    es = jnp.dot(h, asrc_ref[...], preferred_element_type=jnp.float32)
    ed = jnp.dot(h, adst_ref[...], preferred_element_type=jnp.float32)
    pad = jnp.zeros((x.shape[0], wg - fout - 2), jnp.float32)
    out_ref[...] = jnp.concatenate([h, es, ed, pad], axis=1)


def _tc_table(x, p):
    R, fin = x.shape
    fout = p['W'].shape[1]
    wg = _pad_w(fout + 2)
    grid = (R // _ROW_T,)
    return pl.pallas_call(
        functools.partial(_table_kernel, fout=fout, wg=wg),
        grid=grid,
        in_specs=[
            pl.BlockSpec((_ROW_T, fin), lambda r: (r, 0)),
            pl.BlockSpec((fin, fout), lambda r: (0, 0)),
            pl.BlockSpec((1, fout), lambda r: (0, 0)),
            pl.BlockSpec((fout, 1), lambda r: (0, 0)),
            pl.BlockSpec((fout, 1), lambda r: (0, 0)),
        ],
        out_specs=pl.BlockSpec((_ROW_T, wg), lambda r: (r, 0)),
        out_shape=jax.ShapeDtypeStruct((R, wg), jnp.float32),
    )(x, p['W'], p['b'].reshape(1, fout), p['a_src'].reshape(fout, 1),
      p['a_dst'].reshape(fout, 1))


def _attend(g, ha, fout):
    es = g[:, :, fout:fout + 1]
    ed = ha[:, fout + 1:fout + 2]
    e = _leaky(ed[None] + es)
    m = jnp.max(e, axis=0, keepdims=True)
    ex = jnp.exp(e - m)
    s = jnp.sum(ex, axis=0, keepdims=True)
    alpha = ex / s
    return jnp.sum(alpha * g[:, :, :fout], axis=0)


def _mk_table(x, w_ref, b_ref, asrc_ref, adst_ref, wg):
    fout = w_ref.shape[1]
    h = jnp.dot(x, w_ref[...], preferred_element_type=jnp.float32) + b_ref[...]
    es = jnp.dot(h, asrc_ref[...], preferred_element_type=jnp.float32)
    ed = jnp.dot(h, adst_ref[...], preferred_element_type=jnp.float32)
    pad = jnp.zeros((x.shape[0], wg - fout - 2), jnp.float32)
    return jnp.concatenate([h, es, ed, pad], axis=1)


def _pspecs(p):
    fin, fout = p['W'].shape
    return [
        pl.BlockSpec((fin, fout), lambda b, t: (0, 0)),
        pl.BlockSpec((1, fout), lambda b, t: (0, 0)),
        pl.BlockSpec((fout, 1), lambda b, t: (0, 0)),
        pl.BlockSpec((fout, 1), lambda b, t: (0, 0)),
    ]


def _pargs(p):
    fin, fout = p['W'].shape
    return (p['W'], p['b'].reshape(1, fout), p['a_src'].reshape(fout, 1),
            p['a_dst'].reshape(fout, 1))


def _gspec(wg):
    return pl.BlockSpec((1, K, _ROW_T, wg), lambda b, t: (b, 0, t, 0))


def _haspec(wg):
    return pl.BlockSpec((1, _ROW_T, wg), lambda b, t: (b, t, 0))


def _tspec(wg, nt):
    return pl.BlockSpec((_ROW_T, wg), lambda b, t: (b * nt + t, 0))




def _att_tables_kernel(g_ref, ha_ref, *refs, fout, wgs):
    nparam = 4 * len(wgs)
    prefs, orefs = refs[:nparam], refs[nparam:]
    y = _leaky(_attend(g_ref[0], ha_ref[0], fout))
    for j, wg in enumerate(wgs):
        orefs[j][...] = _mk_table(y, *prefs[4 * j:4 * j + 4], wg)


def _att_tables(G, haug, fout, plist):
    Bv, _, Nv, wg = G.shape
    nt = Nv // _ROW_T
    R = Bv * Nv
    wgs = tuple(_pad_w(p['W'].shape[1] + 2) for p in plist)
    specs = [_gspec(wg), _haspec(wg)]
    args = [G, haug.reshape(Bv, Nv, wg)]
    for p in plist:
        specs += _pspecs(p)
        args += list(_pargs(p))
    outs = pl.pallas_call(
        functools.partial(_att_tables_kernel, fout=fout, wgs=wgs),
        grid=(Bv, nt),
        in_specs=specs,
        out_specs=[_tspec(w, nt) for w in wgs],
        out_shape=[jax.ShapeDtypeStruct((R, w), jnp.float32) for w in wgs],
    )(*args)
    return outs




def _att_y_kernel(g_ref, ha_ref, out_ref, *, fout):
    out_ref[0] = _attend(g_ref[0], ha_ref[0], fout)


def _att_y(G, haug, fout):
    Bv, _, Nv, wg = G.shape
    return pl.pallas_call(
        functools.partial(_att_y_kernel, fout=fout),
        grid=(Bv, Nv // _ROW_T),
        in_specs=[_gspec(wg), _haspec(wg)],
        out_specs=_haspec(fout),
        out_shape=jax.ShapeDtypeStruct((Bv, Nv, fout), jnp.float32),
    )(G, haug.reshape(Bv, Nv, wg))




def _masked_softmax_pick(z, evenmask, lane):
    neg = jnp.float32(-jnp.inf)
    m = jnp.max(jnp.where(evenmask, z, neg), axis=1, keepdims=True)
    ex = jnp.where(evenmask, jnp.exp(z - m), 0.0)
    s = jnp.sum(ex, axis=1, keepdims=True)
    y = ex / s
    my = jnp.max(y, axis=1, keepdims=True)
    l = jnp.min(jnp.where(y == my, lane, jnp.int32(99)), axis=1, keepdims=True)
    return l


def _gumbel_kernel(g_ref, ha_ref, d1_ref, gn_ref, *refs, fout, wgs):
    nparam = 4 * len(wgs)
    prefs, orefs = refs[:nparam], refs[nparam + 1:]
    xs_ref = refs[nparam]
    w1 = _attend(g_ref[0], ha_ref[0], fout)
    z = (w1 + gn_ref[0]) / TAU
    lane = lax.broadcasted_iota(jnp.int32, (_ROW_T, NSCALE), 1)
    even = (lane % 2) == 0
    l1 = _masked_softmax_pick(z, even, lane)
    l2 = _masked_softmax_pick(z, ~even, lane)
    d1 = d1_ref[0]
    lane14 = lax.broadcasted_iota(jnp.int32, (_ROW_T, NSCALE + 2), 1)
    x1 = jnp.sum(jnp.where(lane14 == l1 + 2, d1, 0.0), axis=1, keepdims=True)
    x2 = jnp.sum(jnp.where(lane14 == l2 + 2, d1, 0.0), axis=1, keepdims=True)
    xs_ref[0] = jnp.concatenate([x1, x2], axis=1)
    if wgs:
        xsel = jnp.where(even, x1, x2)
        xf = jnp.abs(d1[:, 2:NSCALE + 2] - xsel)
        orefs[0][...] = _mk_table(xf, *prefs[0:4], wgs[0])


def _att_gumbel(G, haug, d1c, gn, plist):
    Bv, _, Nv, wg = G.shape
    nt = Nv // _ROW_T
    R = Bv * Nv
    wgs = tuple(_pad_w(p['W'].shape[1] + 2) for p in plist)
    specs = [_gspec(wg), _haspec(wg), _haspec(NSCALE + 2), _haspec(NSCALE)]
    args = [G, haug.reshape(Bv, Nv, wg), d1c, gn]
    for p in plist:
        specs += _pspecs(p)
        args += list(_pargs(p))
    out_specs = [_haspec(2)] + [_tspec(w, nt) for w in wgs]
    out_shape = [jax.ShapeDtypeStruct((Bv, Nv, 2), jnp.float32)] + [
        jax.ShapeDtypeStruct((R, w), jnp.float32) for w in wgs]
    return pl.pallas_call(
        functools.partial(_gumbel_kernel, fout=NSCALE, wgs=wgs),
        grid=(Bv, nt),
        in_specs=specs,
        out_specs=out_specs,
        out_shape=out_shape,
    )(*args)




def _combine_kernel(g_ref, ha_ref, xw_ref, xs_ref, d1_ref, w_ref, b_ref,
                    asrc_ref, adst_ref, d1n_ref, t_ref, *, fout, wg2):
    dw = _attend(g_ref[0], ha_ref[0], fout)
    xw = xw_ref[0]
    m = jnp.maximum(xw, dw)
    ea = jnp.exp(xw - m)
    eb = jnp.exp(dw - m)
    s = ea + eb
    wa = ea / s
    wb = eb / s
    lane = lax.broadcasted_iota(jnp.int32, (_ROW_T, NSCALE), 1)
    even = (lane % 2) == 0
    xsv = xs_ref[0]
    x1 = xsv[:, 0:1]
    x2 = xsv[:, 1:2]
    xsel = jnp.where(even, x1, x2)
    d1 = d1_ref[0]
    d12 = wa * xsel + wb * d1[:, 2:NSCALE + 2]
    d1n_ref[0] = jnp.concatenate([d1[:, 0:2], d12], axis=1)
    t_ref[...] = _mk_table(d12, w_ref, b_ref, asrc_ref, adst_ref, wg2)


def _att_combine(G, haug, x1_ws, xsi, d1c, pnext):
    Bv, _, Nv, wg = G.shape
    nt = Nv // _ROW_T
    R = Bv * Nv
    wg2 = _pad_w(pnext['W'].shape[1] + 2)
    specs = [_gspec(wg), _haspec(wg), _haspec(NSCALE), _haspec(2),
             _haspec(NSCALE + 2)] + _pspecs(pnext)
    args = [G, haug.reshape(Bv, Nv, wg), x1_ws, xsi, d1c] + list(_pargs(pnext))
    return pl.pallas_call(
        functools.partial(_combine_kernel, fout=NSCALE, wg2=wg2),
        grid=(Bv, nt),
        in_specs=specs,
        out_specs=[_haspec(NSCALE + 2), _tspec(wg2, nt)],
        out_shape=[jax.ShapeDtypeStruct((Bv, Nv, NSCALE + 2), jnp.float32),
                   jax.ShapeDtypeStruct((R, wg2), jnp.float32)],
    )(*args)


def _interleave(a, b):
    return jnp.stack([a, b], axis=3).reshape(a.shape[0], a.shape[1], -1)


def kernel(d1, params):
    Bv, Nv, _ = d1.shape
    R = Bv * Nv
    nbr = _knn_pallas(d1[:, :, 0:2])
    boff = (jnp.arange(Bv, dtype=jnp.int32) * Nv)[:, None, None]
    nbr = (nbr + boff).reshape(-1)

    def gather(table):
        wg = table.shape[1]
        return _sc_gather(table, nbr).reshape(Bv, K, Nv, wg)

    gkey = jax.random.key(42)
    gns = []
    for i in range(NBLOCK):
        u1 = jax.random.uniform(jax.random.fold_in(gkey, 2 * i), (Bv, Nv, NGRAPH),
                                minval=1e-6, maxval=1.0 - 1e-6)
        u2 = jax.random.uniform(jax.random.fold_in(gkey, 2 * i + 1), (Bv, Nv, NGRAPH),
                                minval=1e-6, maxval=1.0 - 1e-6)
        g1 = -jnp.log(-jnp.log(u1))
        g2 = -jnp.log(-jnp.log(u2))
        gns.append(_interleave(g1, g2))

    d1c = d1
    xs = []
    t_a0 = _tc_table(d1[:, :, 2:].reshape(R, NSCALE), params['attn0']['conv0'])
    for i in range(NBLOCK):
        pa = params['attn%d' % (2 * i)]
        pb = params['attn%d' % (2 * i + 1)]
        last = i == NBLOCK - 1
        (t_a1,) = _att_tables(gather(t_a0), t_a0, FEAT_INTERIM, [pa['conv1']])
        nxt = [pb['conv0']] + ([] if last else [params['exp%d' % (3 * i + 2)]['conv0']])
        outs = _att_tables(gather(t_a1), t_a1, NSCALE, nxt)
        t_b0 = outs[0]
        t_e2_0 = None if last else outs[1]
        (t_b1,) = _att_tables(gather(t_b0), t_b0, FEAT_INTERIM, [pb['conv1']])
        gouts = _att_gumbel(gather(t_b1), t_b1, d1c, gns[i],
                            [] if last else [params['exp%d' % (3 * i)]['conv0']])
        xs.append(gouts[0])
        if last:
            break
        t_x0 = gouts[1]
        pe0 = params['exp%d' % (3 * i)]
        pe1 = params['exp%d' % (3 * i + 1)]
        pe2 = params['exp%d' % (3 * i + 2)]
        (t_x1,) = _att_tables(gather(t_x0), t_x0, FEAT_INTERIM, [pe0['conv1']])
        (t_e1_0,) = _att_tables(gather(t_x1), t_x1, NSCALE, [pe1['conv0']])
        (t_e1_1,) = _att_tables(gather(t_e1_0), t_e1_0, FEAT_INTERIM, [pe1['conv1']])
        x1_ws = _att_y(gather(t_e1_1), t_e1_1, NSCALE)
        (t_e2_1,) = _att_tables(gather(t_e2_0), t_e2_0, FEAT_INTERIM, [pe2['conv1']])
        d1c, t_a0 = _att_combine(gather(t_e2_1), t_e2_1, x1_ws, xs[-1], d1c,
                                 params['attn%d' % (2 * i + 2)]['conv0'])
    return jnp.stack(xs, axis=0)

# --- scband reference (transcript-rebuilt; emitter-appended) ---
"""Pipeline reference for scband-model-91302414778568 (READ-ONLY COPY).

The authoritative reference and input builder live on the scoring server;
editing this copy changes nothing except your own understanding.
"""

import jax, jax.numpy as jnp
import numpy as np

K = 8
NSCALE = 12
NBLOCK = 3
NGRAPH = NSCALE // 2
TAU = 10.0
FEAT_INTERIM = 32
B = 2
N = 10000


def leaky(x):
    return jnp.where(x >= 0, x, 0.2 * x)


def knn_xy(xy):
    # xy: [N, 2]; chunked pairwise kNN (self-loops excluded) -> [N, K] neighbor indices
    n = xy.shape[0]
    chunk = 2500
    outs = []
    for s in range(0, n, chunk):
        q = xy[s:s + chunk]
        c = q.shape[0]
        d = jnp.sum((q[:, None, :] - xy[None, :, :]) ** 2, axis=-1)
        d = d.at[jnp.arange(c), jnp.arange(s, s + c)].set(jnp.inf)
        _, nb = jax.lax.top_k(-d, K)
        outs.append(nb)
    return jnp.concatenate(outs, axis=0)


def gat_conv(p, x, nbr):
    # x: [N, f_in], nbr: [N, K] -> [N, f_out]; GAT-style attention over fixed-k neighborhoods
    h = x @ p['W'] + p['b']
    e_dst = h @ p['a_dst']
    e_src = h @ p['a_src']
    e = leaky(e_dst[:, None] + e_src[nbr])
    alpha = jax.nn.softmax(e, axis=1)
    return jnp.sum(alpha[:, :, None] * h[nbr], axis=1)


def feature_extraction(p, x, nbr):
    h = gat_conv(p['conv0'], x, nbr)
    h = leaky(h)
    return gat_conv(p['conv1'], h, nbr)


def fe_batched(p, x, nbr):
    return jax.vmap(feature_extraction, in_axes=(None, 0, 0))(p, x, nbr)


def gumbel_softmax_hard(key, logits, tau, axis):
    u = jax.random.uniform(key, logits.shape, minval=1e-6, maxval=1.0 - 1e-6)
    g = -jnp.log(-jnp.log(u))
    y = jax.nn.softmax((logits + g) / tau, axis=axis)
    idx = jnp.argmax(y, axis=axis)
    y_hard = jax.nn.one_hot(idx, logits.shape[axis], axis=axis, dtype=y.dtype)
    # straight-through estimator, matches torch F.gumbel_softmax(hard=True)
    return jax.lax.stop_gradient(y_hard - y) + y


def interleave(a, b):
    # a, b: [B, N, NGRAPH] -> [B, N, NSCALE], a at even slots, b at odd slots
    return jnp.stack([a, b], axis=3).reshape(a.shape[0], a.shape[1], -1)


def model_forward(d1, params):
    Bv, Nv, _ = d1.shape
    d1_xy = d1[:, :, 0:2]
    # kNN graph built on xy coords; xy is unchanged across blocks so the graph is
    # identical each block -> compute once
    nbr = jax.vmap(knn_xy)(d1_xy)
    gkey = jax.random.key(42)
    xs = []
    for i in range(NBLOCK):
        d1_inp = d1[:, :, 2:]
        d1_features = leaky(fe_batched(params['attn%d' % (2 * i)], d1_inp, nbr))
        w1 = fe_batched(params['attn%d' % (2 * i + 1)], d1_features, nbr)
        oh1 = gumbel_softmax_hard(jax.random.fold_in(gkey, 2 * i), w1[:, :, 0::2], TAU, 2)
        x1 = jnp.sum(d1[:, :, 2::2] * oh1, axis=2).reshape(Bv, Nv, 1)
        oh2 = gumbel_softmax_hard(jax.random.fold_in(gkey, 2 * i + 1), w1[:, :, 1::2], TAU, 2)
        x2 = jnp.sum(d1[:, :, 3::2] * oh2, axis=2).reshape(Bv, Nv, 1)
        xs.append(jnp.concatenate([x1, x2], axis=2))
        if i == NBLOCK - 1:
            break
        col0 = interleave(jnp.broadcast_to(x1, (Bv, Nv, NGRAPH)), jnp.broadcast_to(x2, (Bv, Nv, NGRAPH)))
        x1_expand = jnp.stack([col0, d1[:, :, 2:]], axis=3)  # [B, N, NSCALE, 2]
        d_x = jnp.concatenate([jnp.abs(d1[:, :, 2::2] - x1), jnp.abs(d1[:, :, 3::2] - x2)], axis=2)
        x1_features = interleave(d_x[:, :, :NGRAPH], d_x[:, :, NGRAPH:])
        x1_features = leaky(fe_batched(params['exp%d' % (3 * i)], x1_features, nbr))
        x1_features_ws = fe_batched(params['exp%d' % (3 * i + 1)], x1_features, nbr)
        d1_features_ws = fe_batched(params['exp%d' % (3 * i + 2)], d1_features, nbr)
        wbar = jax.nn.softmax(jnp.stack([x1_features_ws, d1_features_ws], axis=3), axis=3)
        d12 = jnp.sum(wbar * x1_expand, axis=-1).reshape(Bv, -1, NSCALE)
        d1 = jnp.concatenate([d1_xy, d12], axis=2)
    return jnp.stack(xs, axis=0)  # [NBLOCK, B, N, 2]


def _conv_params(key, fin, fout):
    k0, k1, k2 = jax.random.split(key, 3)
    return {
        'W': (jax.random.normal(k0, (fin, fout), dtype=jnp.float32) * 0.1),
        'b': jnp.zeros((fout,), dtype=jnp.float32),
        'a_src': (jax.random.normal(k1, (fout,), dtype=jnp.float32) * 0.1),
        'a_dst': (jax.random.normal(k2, (fout,), dtype=jnp.float32) * 0.1),
    }


def _fe_params(key, fin, fout):
    ka, kb = jax.random.split(key, 2)
    return {'conv0': _conv_params(ka, fin, FEAT_INTERIM), 'conv1': _conv_params(kb, FEAT_INTERIM, fout)}


def setup_inputs(seed: int = 0) -> dict:
    key = jax.random.key(seed)
    d1 = jax.random.normal(jax.random.fold_in(key, 0), (B, N, 2 + NSCALE), dtype=jnp.float32)
    params = {}
    names = ['attn%d' % j for j in range(2 * NBLOCK)] + ['exp%d' % j for j in range(3 * (NBLOCK - 1))]
    for t, name in enumerate(names):
        params[name] = _fe_params(jax.random.fold_in(key, t + 1), NSCALE, NSCALE)
    return {'d1': d1, 'params': params}


def reference(d1, params):
    return model_forward(d1, params)

if __name__ == "__main__":
    import jax
    _d = setup_inputs()
    print(jax.jit(kernel)(*tuple(_d.values())))

</pallas_src>

<mosaic_0001>
#map = affine_map<(d0, d1) -> (0, 0)>
#map1 = affine_map<(d0, d1) -> (0)>
module attributes {stable_mosaic.version = 14 : i64} {
  func.func @k(%arg0: i32, %arg1: i32, %arg2: memref<20000x48xf32, #tpu.memory_space<hbm>>, %arg3: memref<160000xi32, #tpu.memory_space<hbm>>, %arg4: memref<160000x48xf32, #tpu.memory_space<hbm>>, %arg5: memref<1000xi32, #tpu.memory_space<vmem>>, %arg6: memref<1000x48xf32, #tpu.memory_space<vmem>>, %arg7: memref<!tpu.dma_semaphore, #tpu.memory_space<semaphore_mem>>) attributes {dimension_semantics = [#tpu.dimension_semantics<core_parallel>, #tpu.dimension_semantics<subcore_parallel>], iteration_bounds = array<i64: 2, 16>, scalar_prefetch = 0 : i64, scratch_operands = 3 : i64, tpu.core_type = #tpu.core_type<sc_vector_subcore>, window_params = [{transform_indices = #map}, {transform_indices = #map1}, {transform_indices = #map}]} {
    %mul3A = arith.constant 2 : i32
    %mul3A_0 = arith.muli %arg1, %mul3A : i32
    %add3A = arith.addi %mul3A_0, %arg0 : i32
    %mul3A_1 = arith.constant 5000 : i32
    %mul3A_2 = arith.muli %add3A, %mul3A_1 : i32
    %add3A_3 = arith.constant 0 : i32
    %add3A_4 = arith.addi %mul3A_2, %add3A_3 : i32
    "tpu.region"() ({
      %run_scoped3A = tpu.sem_alloc : memref<!tpu.dma_semaphore, #tpu.memory_space<semaphore_mem>>
      %dma_start3A_41 = tpu.memref_slice %arg3[%add3A_4] : memref<160000xi32, #tpu.memory_space<hbm>> -> memref<1000xi32, #tpu.memory_space<hbm>>
      %dma_start3A_42 = tpu.memref_slice %arg3[%add3A_4] : memref<160000xi32, #tpu.memory_space<hbm>> -> memref<1000xi32, #tpu.memory_space<hbm>>
      tpu.enqueue_dma source(%dma_start3A_42 : memref<1000xi32, #tpu.memory_space<hbm>>) target(%arg5 : memref<1000xi32, #tpu.memory_space<vmem>>) target_semaphore(%run_scoped3A : memref<!tpu.dma_semaphore, #tpu.memory_space<semaphore_mem>>)
      %dma_wait3A_43 = tpu.memref_slice %arg3[%add3A_4] : memref<160000xi32, #tpu.memory_space<hbm>> -> memref<1000xi32, #tpu.memory_space<hbm>>
      %dma_wait3A_44 = tpu.memref_slice %arg3[%add3A_4] : memref<160000xi32, #tpu.memory_space<hbm>> -> memref<1000xi32, #tpu.memory_space<hbm>>
      tpu.wait_dma2 semaphore(%run_scoped3A : memref<!tpu.dma_semaphore, #tpu.memory_space<semaphore_mem>>) src(%dma_wait3A_44 : memref<1000xi32, #tpu.memory_space<hbm>>) dst(%arg5 : memref<1000xi32, #tpu.memory_space<vmem>>)
      tpu.yield
    }) : () -> ()
    %dma_start3A = arith.constant 0 : i32
    %dma_start3A_5 = arith.constant 0 : i32
    %dma_start3A_6 = tpu.memref_slice %arg2[%dma_start3A, %dma_start3A_5] : memref<20000x48xf32, #tpu.memory_space<hbm>> -> memref<20000x48xf32, #tpu.memory_space<hbm>>
    tpu.enqueue_indirect_dma source(%dma_start3A_6 : memref<20000x48xf32, #tpu.memory_space<hbm>>) target(%arg6 : memref<1000x48xf32, #tpu.memory_space<vmem>>) offsets(%arg5 : memref<1000xi32, #tpu.memory_space<vmem>>) semaphore(%arg7 : memref<!tpu.dma_semaphore, #tpu.memory_space<semaphore_mem>>)
    %dma_wait3A = arith.constant 0 : i32
    %dma_wait3A_7 = arith.constant 0 : i32
    %dma_wait3A_8 = tpu.memref_slice %arg2[%dma_wait3A, %dma_wait3A_7] : memref<20000x48xf32, #tpu.memory_space<hbm>> -> memref<20000x48xf32, #tpu.memory_space<hbm>>
    tpu.wait_indirect_dma semaphore(%arg7 : memref<!tpu.dma_semaphore, #tpu.memory_space<semaphore_mem>>) src(%dma_wait3A_8 : memref<20000x48xf32, #tpu.memory_space<hbm>>) dst(%arg6 : memref<1000x48xf32, #tpu.memory_space<vmem>>)
    "tpu.region"() ({
      %run_scoped3A = tpu.sem_alloc : memref<!tpu.dma_semaphore, #tpu.memory_space<semaphore_mem>>
      %dma_start3A_41 = arith.constant 0 : i32
      %dma_start3A_42 = tpu.memref_slice %arg4[%add3A_4, %dma_start3A_41] : memref<160000x48xf32, #tpu.memory_space<hbm>> -> memref<1000x48xf32, #tpu.memory_space<hbm>>
      %dma_start3A_43 = arith.constant 0 : i32
      %dma_start3A_44 = tpu.memref_slice %arg4[%add3A_4, %dma_start3A_43] : memref<160000x48xf32, #tpu.memory_space<hbm>> -> memref<1000x48xf32, #tpu.memory_space<hbm>>
      tpu.enqueue_dma source(%arg6 : memref<1000x48xf32, #tpu.memory_space<vmem>>) target(%dma_start3A_44 : memref<1000x48xf32, #tpu.memory_space<hbm>>) target_semaphore(%run_scoped3A : memref<!tpu.dma_semaphore, #tpu.memory_space<semaphore_mem>>)
      %dma_wait3A_45 = arith.constant 0 : i32
      %dma_wait3A_46 = tpu.memref_slice %arg4[%add3A_4, %dma_wait3A_45] : memref<160000x48xf32, #tpu.memory_space<hbm>> -> memref<1000x48xf32, #tpu.memory_space<hbm>>
      %dma_wait3A_47 = arith.constant 0 : i32
      %dma_wait3A_48 = tpu.memref_slice %arg4[%add3A_4, %dma_wait3A_47] : memref<160000x48xf32, #tpu.memory_space<hbm>> -> memref<1000x48xf32, #tpu.memory_space<hbm>>
      tpu.wait_dma2 semaphore(%run_scoped3A : memref<!tpu.dma_semaphore, #tpu.memory_space<semaphore_mem>>) src(%arg6 : memref<1000x48xf32, #tpu.memory_space<vmem>>) dst(%dma_wait3A_48 : memref<1000x48xf32, #tpu.memory_space<hbm>>)
      tpu.yield
    }) : () -> ()
    %add3A_9 = arith.constant 1000 : i32
    %add3A_10 = arith.addi %mul3A_2, %add3A_9 : i32
    "tpu.region"() ({
      %run_scoped3A = tpu.sem_alloc : memref<!tpu.dma_semaphore, #tpu.memory_space<semaphore_mem>>
      %dma_start3A_41 = tpu.memref_slice %arg3[%add3A_10] : memref<160000xi32, #tpu.memory_space<hbm>> -> memref<1000xi32, #tpu.memory_space<hbm>>
      %dma_start3A_42 = tpu.memref_slice %arg3[%add3A_10] : memref<160000xi32, #tpu.memory_space<hbm>> -> memref<1000xi32, #tpu.memory_space<hbm>>
      tpu.enqueue_dma source(%dma_start3A_42 : memref<1000xi32, #tpu.memory_space<hbm>>) target(%arg5 : memref<1000xi32, #tpu.memory_space<vmem>>) target_semaphore(%run_scoped3A : memref<!tpu.dma_semaphore, #tpu.memory_space<semaphore_mem>>)
      %dma_wait3A_43 = tpu.memref_slice %arg3[%add3A_10] : memref<160000xi32, #tpu.memory_space<hbm>> -> memref<1000xi32, #tpu.memory_space<hbm>>
      %dma_wait3A_44 = tpu.memref_slice %arg3[%add3A_10] : memref<160000xi32, #tpu.memory_space<hbm>> -> memref<1000xi32, #tpu.memory_space<hbm>>
      tpu.wait_dma2 semaphore(%run_scoped3A : memref<!tpu.dma_semaphore, #tpu.memory_space<semaphore_mem>>) src(%dma_wait3A_44 : memref<1000xi32, #tpu.memory_space<hbm>>) dst(%arg5 : memref<1000xi32, #tpu.memory_space<vmem>>)
      tpu.yield
    }) : () -> ()
    %dma_start3A_11 = arith.constant 0 : i32
    %dma_start3A_12 = arith.constant 0 : i32
    %dma_start3A_13 = tpu.memref_slice %arg2[%dma_start3A_11, %dma_start3A_12] : memref<20000x48xf32, #tpu.memory_space<hbm>> -> memref<20000x48xf32, #tpu.memory_space<hbm>>
    tpu.enqueue_indirect_dma source(%dma_start3A_13 : memref<20000x48xf32, #tpu.memory_space<hbm>>) target(%arg6 : memref<1000x48xf32, #tpu.memory_space<vmem>>) offsets(%arg5 : memref<1000xi32, #tpu.memory_space<vmem>>) semaphore(%arg7 : memref<!tpu.dma_semaphore, #tpu.memory_space<semaphore_mem>>)
    %dma_wait3A_14 = arith.constant 0 : i32
    %dma_wait3A_15 = arith.constant 0 : i32
    %dma_wait3A_16 = tpu.memref_slice %arg2[%dma_wait3A_14, %dma_wait3A_15] : memref<20000x48xf32, #tpu.memory_space<hbm>> -> memref<20000x48xf32, #tpu.memory_space<hbm>>
    tpu.wait_indirect_dma semaphore(%arg7 : memref<!tpu.dma_semaphore, #tpu.memory_space<semaphore_mem>>) src(%dma_wait3A_16 : memref<20000x48xf32, #tpu.memory_space<hbm>>) dst(%arg6 : memref<1000x48xf32, #tpu.memory_space<vmem>>)
    "tpu.region"() ({
      %run_scoped3A = tpu.sem_alloc : memref<!tpu.dma_semaphore, #tpu.memory_space<semaphore_mem>>
      %dma_start3A_41 = arith.constant 0 : i32
      %dma_start3A_42 = tpu.memref_slice %arg4[%add3A_10, %dma_start3A_41] : memref<160000x48xf32, #tpu.memory_space<hbm>> -> memref<1000x48xf32, #tpu.memory_space<hbm>>
      %dma_start3A_43 = arith.constant 0 : i32
      %dma_start3A_44 = tpu.memref_slice %arg4[%add3A_10, %dma_start3A_43] : memref<160000x48xf32, #tpu.memory_space<hbm>> -> memref<1000x48xf32, #tpu.memory_space<hbm>>
      tpu.enqueue_dma source(%arg6 : memref<1000x48xf32, #tpu.memory_space<vmem>>) target(%dma_start3A_44 : memref<1000x48xf32, #tpu.memory_space<hbm>>) target_semaphore(%run_scoped3A : memref<!tpu.dma_semaphore, #tpu.memory_space<semaphore_mem>>)
      %dma_wait3A_45 = arith.constant 0 : i32
      %dma_wait3A_46 = tpu.memref_slice %arg4[%add3A_10, %dma_wait3A_45] : memref<160000x48xf32, #tpu.memory_space<hbm>> -> memref<1000x48xf32, #tpu.memory_space<hbm>>
      %dma_wait3A_47 = arith.constant 0 : i32
      %dma_wait3A_48 = tpu.memref_slice %arg4[%add3A_10, %dma_wait3A_47] : memref<160000x48xf32, #tpu.memory_space<hbm>> -> memref<1000x48xf32, #tpu.memory_space<hbm>>
      tpu.wait_dma2 semaphore(%run_scoped3A : memref<!tpu.dma_semaphore, #tpu.memory_space<semaphore_mem>>) src(%arg6 : memref<1000x48xf32, #tpu.memory_space<vmem>>) dst(%dma_wait3A_48 : memref<1000x48xf32, #tpu.memory_space<hbm>>)
      tpu.yield
    }) : () -> ()
    %add3A_17 = arith.constant 2000 : i32
    %add3A_18 = arith.addi %mul3A_2, %add3A_17 : i32
    "tpu.region"() ({
      %run_scoped3A = tpu.sem_alloc : memref<!tpu.dma_semaphore, #tpu.memory_space<semaphore_mem>>
      %dma_start3A_41 = tpu.memref_slice %arg3[%add3A_18] : memref<160000xi32, #tpu.memory_space<hbm>> -> memref<1000xi32, #tpu.memory_space<hbm>>
      %dma_start3A_42 = tpu.memref_slice %arg3[%add3A_18] : memref<160000xi32, #tpu.memory_space<hbm>> -> memref<1000xi32, #tpu.memory_space<hbm>>
      tpu.enqueue_dma source(%dma_start3A_42 : memref<1000xi32, #tpu.memory_space<hbm>>) target(%arg5 : memref<1000xi32, #tpu.memory_space<vmem>>) target_semaphore(%run_scoped3A : memref<!tpu.dma_semaphore, #tpu.memory_space<semaphore_mem>>)
      %dma_wait3A_43 = tpu.memref_slice %arg3[%add3A_18] : memref<160000xi32, #tpu.memory_space<hbm>> -> memref<1000xi32, #tpu.memory_space<hbm>>
      %dma_wait3A_44 = tpu.memref_slice %arg3[%add3A_18] : memref<160000xi32, #tpu.memory_space<hbm>> -> memref<1000xi32, #tpu.memory_space<hbm>>
      tpu.wait_dma2 semaphore(%run_scoped3A : memref<!tpu.dma_semaphore, #tpu.memory_space<semaphore_mem>>) src(%dma_wait3A_44 : memref<1000xi32, #tpu.memory_space<hbm>>) dst(%arg5 : memref<1000xi32, #tpu.memory_space<vmem>>)
      tpu.yield
    }) : () -> ()
    %dma_start3A_19 = arith.constant 0 : i32
    %dma_start3A_20 = arith.constant 0 : i32
    %dma_start3A_21 = tpu.memref_slice %arg2[%dma_start3A_19, %dma_start3A_20] : memref<20000x48xf32, #tpu.memory_space<hbm>> -> memref<20000x48xf32, #tpu.memory_space<hbm>>
    tpu.enqueue_indirect_dma source(%dma_start3A_21 : memref<20000x48xf32, #tpu.memory_space<hbm>>) target(%arg6 : memref<1000x48xf32, #tpu.memory_space<vmem>>) offsets(%arg5 : memref<1000xi32, #tpu.memory_space<vmem>>) semaphore(%arg7 : memref<!tpu.dma_semaphore, #tpu.memory_space<semaphore_mem>>)
    %dma_wait3A_22 = arith.constant 0 : i32
    %dma_wait3A_23 = arith.constant 0 : i32
    %dma_wait3A_24 = tpu.memref_slice %arg2[%dma_wait3A_22, %dma_wait3A_23] : memref<20000x48xf32, #tpu.memory_space<hbm>> -> memref<20000x48xf32, #tpu.memory_space<hbm>>
    tpu.wait_indirect_dma semaphore(%arg7 : memref<!tpu.dma_semaphore, #tpu.memory_space<semaphore_mem>>) src(%dma_wait3A_24 : memref<20000x48xf32, #tpu.memory_space<hbm>>) dst(%arg6 : memref<1000x48xf32, #tpu.memory_space<vmem>>)
    "tpu.region"() ({
      %run_scoped3A = tpu.sem_alloc : memref<!tpu.dma_semaphore, #tpu.memory_space<semaphore_mem>>
      %dma_start3A_41 = arith.constant 0 : i32
      %dma_start3A_42 = tpu.memref_slice %arg4[%add3A_18, %dma_start3A_41] : memref<160000x48xf32, #tpu.memory_space<hbm>> -> memref<1000x48xf32, #tpu.memory_space<hbm>>
      %dma_start3A_43 = arith.constant 0 : i32
      %dma_start3A_44 = tpu.memref_slice %arg4[%add3A_18, %dma_start3A_43] : memref<160000x48xf32, #tpu.memory_space<hbm>> -> memref<1000x48xf32, #tpu.memory_space<hbm>>
      tpu.enqueue_dma source(%arg6 : memref<1000x48xf32, #tpu.memory_space<vmem>>) target(%dma_start3A_44 : memref<1000x48xf32, #tpu.memory_space<hbm>>) target_semaphore(%run_scoped3A : memref<!tpu.dma_semaphore, #tpu.memory_space<semaphore_mem>>)
      %dma_wait3A_45 = arith.constant 0 : i32
      %dma_wait3A_46 = tpu.memref_slice %arg4[%add3A_18, %dma_wait3A_45] : memref<160000x48xf32, #tpu.memory_space<hbm>> -> memref<1000x48xf32, #tpu.memory_space<hbm>>
      %dma_wait3A_47 = arith.constant 0 : i32
      %dma_wait3A_48 = tpu.memref_slice %arg4[%add3A_18, %dma_wait3A_47] : memref<160000x48xf32, #tpu.memory_space<hbm>> -> memref<1000x48xf32, #tpu.memory_space<hbm>>
      tpu.wait_dma2 semaphore(%run_scoped3A : memref<!tpu.dma_semaphore, #tpu.memory_space<semaphore_mem>>) src(%arg6 : memref<1000x48xf32, #tpu.memory_space<vmem>>) dst(%dma_wait3A_48 : memref<1000x48xf32, #tpu.memory_space<hbm>>)
      tpu.yield
    }) : () -> ()
    %add3A_25 = arith.constant 3000 : i32
    %add3A_26 = arith.addi %mul3A_2, %add3A_25 : i32
    "tpu.region"() ({
      %run_scoped3A = tpu.sem_alloc : memref<!tpu.dma_semaphore, #tpu.memory_space<semaphore_mem>>
      %dma_start3A_41 = tpu.memref_slice %arg3[%add3A_26] : memref<160000xi32, #tpu.memory_space<hbm>> -> memref<1000xi32, #tpu.memory_space<hbm>>
      %dma_start3A_42 = tpu.memref_slice %arg3[%add3A_26] : memref<160000xi32, #tpu.memory_space<hbm>> -> memref<1000xi32, #tpu.memory_space<hbm>>
      tpu.enqueue_dma source(%dma_start3A_42 : memref<1000xi32, #tpu.memory_space<hbm>>) target(%arg5 : memref<1000xi32, #tpu.memory_space<vmem>>) target_semaphore(%run_scoped3A : memref<!tpu.dma_semaphore, #tpu.memory_space<semaphore_mem>>)
      %dma_wait3A_43 = tpu.memref_slice %arg3[%add3A_26] : memref<160000xi32, #tpu.memory_space<hbm>> -> memref<1000xi32, #tpu.memory_space<hbm>>
      %dma_wait3A_44 = tpu.memref_slice %arg3[%add3A_26] : memref<160000xi32, #tpu.memory_space<hbm>> -> memref<1000xi32, #tpu.memory_space<hbm>>
      tpu.wait_dma2 semaphore(%run_scoped3A : memref<!tpu.dma_semaphore, #tpu.memory_space<semaphore_mem>>) src(%dma_wait3A_44 : memref<1000xi32, #tpu.memory_space<hbm>>) dst(%arg5 : memref<1000xi32, #tpu.memory_space<vmem>>)
      tpu.yield
    }) : () -> ()
    %dma_start3A_27 = arith.constant 0 : i32
    %dma_start3A_28 = arith.constant 0 : i32
    %dma_start3A_29 = tpu.memref_slice %arg2[%dma_start3A_27, %dma_start3A_28] : memref<20000x48xf32, #tpu.memory_space<hbm>> -> memref<20000x48xf32, #tpu.memory_space<hbm>>
    tpu.enqueue_indirect_dma source(%dma_start3A_29 : memref<20000x48xf32, #tpu.memory_space<hbm>>) target(%arg6 : memref<1000x48xf32, #tpu.memory_space<vmem>>) offsets(%arg5 : memref<1000xi32, #tpu.memory_space<vmem>>) semaphore(%arg7 : memref<!tpu.dma_semaphore, #tpu.memory_space<semaphore_mem>>)
    %dma_wait3A_30 = arith.constant 0 : i32
    %dma_wait3A_31 = arith.constant 0 : i32
    %dma_wait3A_32 = tpu.memref_slice %arg2[%dma_wait3A_30, %dma_wait3A_31] : memref<20000x48xf32, #tpu.memory_space<hbm>> -> memref<20000x48xf32, #tpu.memory_space<hbm>>
    tpu.wait_indirect_dma semaphore(%arg7 : memref<!tpu.dma_semaphore, #tpu.memory_space<semaphore_mem>>) src(%dma_wait3A_32 : memref<20000x48xf32, #tpu.memory_space<hbm>>) dst(%arg6 : memref<1000x48xf32, #tpu.memory_space<vmem>>)
    "tpu.region"() ({
      %run_scoped3A = tpu.sem_alloc : memref<!tpu.dma_semaphore, #tpu.memory_space<semaphore_mem>>
      %dma_start3A_41 = arith.constant 0 : i32
      %dma_start3A_42 = tpu.memref_slice %arg4[%add3A_26, %dma_start3A_41] : memref<160000x48xf32, #tpu.memory_space<hbm>> -> memref<1000x48xf32, #tpu.memory_space<hbm>>
      %dma_start3A_43 = arith.constant 0 : i32
      %dma_start3A_44 = tpu.memref_slice %arg4[%add3A_26, %dma_start3A_43] : memref<160000x48xf32, #tpu.memory_space<hbm>> -> memref<1000x48xf32, #tpu.memory_space<hbm>>
      tpu.enqueue_dma source(%arg6 : memref<1000x48xf32, #tpu.memory_space<vmem>>) target(%dma_start3A_44 : memref<1000x48xf32, #tpu.memory_space<hbm>>) target_semaphore(%run_scoped3A : memref<!tpu.dma_semaphore, #tpu.memory_space<semaphore_mem>>)
      %dma_wait3A_45 = arith.constant 0 : i32
      %dma_wait3A_46 = tpu.memref_slice %arg4[%add3A_26, %dma_wait3A_45] : memref<160000x48xf32, #tpu.memory_space<hbm>> -> memref<1000x48xf32, #tpu.memory_space<hbm>>
      %dma_wait3A_47 = arith.constant 0 : i32
      %dma_wait3A_48 = tpu.memref_slice %arg4[%add3A_26, %dma_wait3A_47] : memref<160000x48xf32, #tpu.memory_space<hbm>> -> memref<1000x48xf32, #tpu.memory_space<hbm>>
      tpu.wait_dma2 semaphore(%run_scoped3A : memref<!tpu.dma_semaphore, #tpu.memory_space<semaphore_mem>>) src(%arg6 : memref<1000x48xf32, #tpu.memory_space<vmem>>) dst(%dma_wait3A_48 : memref<1000x48xf32, #tpu.memory_space<hbm>>)
      tpu.yield
    }) : () -> ()
    %add3A_33 = arith.constant 4000 : i32
    %add3A_34 = arith.addi %mul3A_2, %add3A_33 : i32
    "tpu.region"() ({
      %run_scoped3A = tpu.sem_alloc : memref<!tpu.dma_semaphore, #tpu.memory_space<semaphore_mem>>
      %dma_start3A_41 = tpu.memref_slice %arg3[%add3A_34] : memref<160000xi32, #tpu.memory_space<hbm>> -> memref<1000xi32, #tpu.memory_space<hbm>>
      %dma_start3A_42 = tpu.memref_slice %arg3[%add3A_34] : memref<160000xi32, #tpu.memory_space<hbm>> -> memref<1000xi32, #tpu.memory_space<hbm>>
      tpu.enqueue_dma source(%dma_start3A_42 : memref<1000xi32, #tpu.memory_space<hbm>>) target(%arg5 : memref<1000xi32, #tpu.memory_space<vmem>>) target_semaphore(%run_scoped3A : memref<!tpu.dma_semaphore, #tpu.memory_space<semaphore_mem>>)
      %dma_wait3A_43 = tpu.memref_slice %arg3[%add3A_34] : memref<160000xi32, #tpu.memory_space<hbm>> -> memref<1000xi32, #tpu.memory_space<hbm>>
      %dma_wait3A_44 = tpu.memref_slice %arg3[%add3A_34] : memref<160000xi32, #tpu.memory_space<hbm>> -> memref<1000xi32, #tpu.memory_space<hbm>>
      tpu.wait_dma2 semaphore(%run_scoped3A : memref<!tpu.dma_semaphore, #tpu.memory_space<semaphore_mem>>) src(%dma_wait3A_44 : memref<1000xi32, #tpu.memory_space<hbm>>) dst(%arg5 : memref<1000xi32, #tpu.memory_space<vmem>>)
      tpu.yield
    }) : () -> ()
    %dma_start3A_35 = arith.constant 0 : i32
    %dma_start3A_36 = arith.constant 0 : i32
    %dma_start3A_37 = tpu.memref_slice %arg2[%dma_start3A_35, %dma_start3A_36] : memref<20000x48xf32, #tpu.memory_space<hbm>> -> memref<20000x48xf32, #tpu.memory_space<hbm>>
    tpu.enqueue_indirect_dma source(%dma_start3A_37 : memref<20000x48xf32, #tpu.memory_space<hbm>>) target(%arg6 : memref<1000x48xf32, #tpu.memory_space<vmem>>) offsets(%arg5 : memref<1000xi32, #tpu.memory_space<vmem>>) semaphore(%arg7 : memref<!tpu.dma_semaphore, #tpu.memory_space<semaphore_mem>>)
    %dma_wait3A_38 = arith.constant 0 : i32
    %dma_wait3A_39 = arith.constant 0 : i32
    %dma_wait3A_40 = tpu.memref_slice %arg2[%dma_wait3A_38, %dma_wait3A_39] : memref<20000x48xf32, #tpu.memory_space<hbm>> -> memref<20000x48xf32, #tpu.memory_space<hbm>>
    tpu.wait_indirect_dma semaphore(%arg7 : memref<!tpu.dma_semaphore, #tpu.memory_space<semaphore_mem>>) src(%dma_wait3A_40 : memref<20000x48xf32, #tpu.memory_space<hbm>>) dst(%arg6 : memref<1000x48xf32, #tpu.memory_space<vmem>>)
    "tpu.region"() ({
      %run_scoped3A = tpu.sem_alloc : memref<!tpu.dma_semaphore, #tpu.memory_space<semaphore_mem>>
      %dma_start3A_41 = arith.constant 0 : i32
      %dma_start3A_42 = tpu.memref_slice %arg4[%add3A_34, %dma_start3A_41] : memref<160000x48xf32, #tpu.memory_space<hbm>> -> memref<1000x48xf32, #tpu.memory_space<hbm>>
      %dma_start3A_43 = arith.constant 0 : i32
      %dma_start3A_44 = tpu.memref_slice %arg4[%add3A_34, %dma_start3A_43] : memref<160000x48xf32, #tpu.memory_space<hbm>> -> memref<1000x48xf32, #tpu.memory_space<hbm>>
      tpu.enqueue_dma source(%arg6 : memref<1000x48xf32, #tpu.memory_space<vmem>>) target(%dma_start3A_44 : memref<1000x48xf32, #tpu.memory_space<hbm>>) target_semaphore(%run_scoped3A : memref<!tpu.dma_semaphore, #tpu.memory_space<semaphore_mem>>)
      %dma_wait3A_45 = arith.constant 0 : i32
      %dma_wait3A_46 = tpu.memref_slice %arg4[%add3A_34, %dma_wait3A_45] : memref<160000x48xf32, #tpu.memory_space<hbm>> -> memref<1000x48xf32, #tpu.memory_space<hbm>>
      %dma_wait3A_47 = arith.constant 0 : i32
      %dma_wait3A_48 = tpu.memref_slice %arg4[%add3A_34, %dma_wait3A_47] : memref<160000x48xf32, #tpu.memory_space<hbm>> -> memref<1000x48xf32, #tpu.memory_space<hbm>>
      tpu.wait_dma2 semaphore(%run_scoped3A : memref<!tpu.dma_semaphore, #tpu.memory_space<semaphore_mem>>) src(%arg6 : memref<1000x48xf32, #tpu.memory_space<vmem>>) dst(%dma_wait3A_48 : memref<1000x48xf32, #tpu.memory_space<hbm>>)
      tpu.yield
    }) : () -> ()
    return
  }
}

</mosaic_0001>

<sc_bundles>
// kernel: _sc_gather.3.cloned.1.call-start
scs
__scs_entry_jumppad:
0x0: {  	(pc) =	sbr.rel $0x88, $3  }
0x1: {  	(tag) =	ssettag $0x0;
	lr =	simm.s32 $0x1  }
0x2: {  	[smem:$0x3F9F] =	sst lr;
	_ =	strace $0xD0000000  }
0x3: {  	_ = 	snop  }
0x4: {  	_ = 	snop  }
0x5: {  	_ = 	snop  }
0x6: {  	_ = 	snop  }
0x7: {  	_ = 	snop  }
__scs_overlays_trampoline_lowered:
0x8: {  	[smem:$0x3FAE] =	sst s0  }
0x9: {  	[smem:$0x3FAF] =	sst s1  }
0xa: {  	[smem:$0x3FB0] =	sst s2  }
0xb: {  	[smem:$0x3FB1] =	sst s3  }
0xc: {  	[smem:$0x3FB2] =	sst s4  }
0xd: {  	[smem:$0x3FB3] =	sst s5  }
0xe: {  	[smem:$0x3FB4] =	sst s6  }
0xf: {  	[smem:$0x3FB5] =	sst s7  }
0x10: {  	[smem:$0x3FB6] =	sst s8  }
0x11: {  	[smem:$0x3FB7] =	sst s9;
	s0 =	simm.s32 @!p0 $0x0  }
0x12: {  	s1 =	sld [smem:$0x3F9D];
	s0 =	simm.s32 @p0 $0x1  }
0x13: {  	[smem:$0x3FB8] =	sst s0;
	s0 =	simm.s32 @!p1 $0x0  }
0x14: {  	s2 =	sld [smem:$0x3F9C];
	s0 =	simm.s32 @p1 $0x1  }
0x15: {  	[smem:$0x3FB9] =	sst s0;
	s0 =	simm.s32 @!p2 $0x0  }
0x16: {  	s3 =	sld [smem:$0x3FDB];
	s0 =	simm.s32 @p2 $0x1  }
0x17: {  	s4 =	simm.s32 $0x1BF5;
	[smem:$0x3FBB] =	sst s0  }
0x18: {  	s0 =	sld [smem:$0x3F9E];
	_ =	swait.ge [sflag:s4], $0x0  }
0x19: {  	s7 =	sld [smem:$0x3F9F]  }
0x1a: {  	s8 =	sadd.s32 $0xFFFFE003, lr  }
0x1b: {  	s9 =	sadd.s32 $0xFFFFFEF7, lr;
	s5 =	simm.s32 $0xFFFFFFFF;
	p2 =	slt.u32 s8, $0xFFFFF086  }
0x1c: {  	p1 =	slt.u32 s9, $0xF7A;
	s5 =	simm.s32 @!p2 $0x0  }
0x1d: {  	s5 =	simm.s32 @p1 $0x1;
	p0 =	seq.s32 s7, s2  }
0x1e: {  	s7 =	smul.u32 @!p0 $0xF7A, s2;
	p2 =	seq.s32 @!p0 s5, $0x0  }
0x1f: {  	s9 =	smul.u32 $0xF7A, s1;
	s8 =	simm.s32 @!p0 $0x1BF5;
	p2 =	por !p2, p0  }
0x20: {  	[sflag:s8] =	ssyncset.s32 @!p0 $0xFFFFF086;
	s6 =	sadd.s32 @!p0 s3, s7;
	s7 =	simm.s32 @!p0 $0x108  }
0x21: {  	s3 =	sadd.s32 s3, s9;
	s6 =	sadd.s32 @!p0 $0x88, s6;
	s7 =	simm.s32 @p2 $0x1082  }
0x22: {  	[simem:s7], [sflag:s8] =	dma.local @!p0 [hbm:s6], $0xF7A  }
0x23: {  	s9 =	sor.u32 $0xD0000000, s2;
	s6 =	simm.s32 $0x108;
	_ =	swait.ge @!p0 [sflag:s8], $0x0  }
0x24: {  	s3 =	sadd.s32 $0x88, s3;
	s6 =	simm.s32 @!p1 $0x1082;
	[sflag:s4] =	ssyncset.s32 $0xFFFFF086  }
0x25: {  	[simem:s6], [sflag:s4] =	dma.local [hbm:s3], $0xF7A  }
0x26: {  	[smem:$0x3F9F] =	sst s1;
	(tag) =	ssettag s2;
	_ =	strace s9  }
0x27: {  	s1 =	sld [smem:$0x3FAF]  }
0x28: {  	s2 =	sld [smem:$0x3FB0]  }
0x29: {  	s4 =	sld [smem:$0x3FB2]  }
0x2a: {  	p0 =	seq.s32 s5, $0x0;
	s5 =	sld [smem:$0x3FB3]  }
0x2b: {  	s6 =	sld [smem:$0x3FB4]  }
0x2c: {  	s7 =	sld [smem:$0x3FB5]  }
0x2d: {  	s3 =	simm.s32 $0x108;
	s8 =	sld [smem:$0x3FB6]  }
0x2e: {  	s3 =	simm.s32 @!p0 $0x1082;
	s9 =	sld [smem:$0x3FB7]  }
0x2f: {  	lr =	sadd.s32 s0, s3;
	s0 =	sld [smem:$0x3FAE]  }
0x30: {  	s3 =	sld [smem:$0x3FB1]  }
0x31: {  	[smem:$0x3FBA] =	sst s10  }
0x32: {  	s10 =	sld [smem:$0x3FB8];
	_ =	sdelay $0x3  }
0x33: {  	p0 =	seq.s32 s10, $0x1;
	s10 =	sld [smem:$0x3FBA];
	_ =	sdelay $0x3  }
0x34: {  	[smem:$0x3FBA] =	sst s10  }
0x35: {  	s10 =	sld [smem:$0x3FB9];
	_ =	sdelay $0x3  }
0x36: {  	p1 =	seq.s32 s10, $0x1;
	s10 =	sld [smem:$0x3FBA];
	_ =	sdelay $0x3  }
0x37: {  	[smem:$0x3FBA] =	sst s10  }
0x38: {  	s10 =	sld [smem:$0x3FBB]  }
0x39: {  	_ = 	snop;
	(pc) =	sbr.ind lr, $3  }
0x3a: {  	_ = 	snop  }
0x3b: {  	_ = 	snop  }
0x3c: {  	p2 =	seq.s32 s10, $0x1;
	s10 =	sld [smem:$0x3FBA]  }
0x3d: {  	_ =	shalt  }
0x3e: {  	_ =	shalt  }
0x3f: {  	_ =	shalt  }
0x40: {  	_ =	shalt  }
0x41: {  	_ =	shalt  }
0x42: {  	_ =	shalt  }
0x43: {  	_ =	shalt  }
0x44: {  	_ =	shalt  }
0x45: {  	_ =	shalt  }
0x46: {  	_ =	shalt  }
0x47: {  	_ =	shalt  }
0x48: {  	_ =	shalt  }
0x49: {  	_ =	shalt  }
0x4a: {  	_ =	shalt  }
0x4b: {  	_ =	shalt  }
0x4c: {  	_ =	shalt  }
0x4d: {  	_ =	shalt  }
0x4e: {  	_ =	shalt  }
0x4f: {  	_ =	shalt  }
0x50: {  	_ =	shalt  }
0x51: {  	_ =	shalt  }
0x52: {  	_ =	shalt  }
0x53: {  	_ =	shalt  }
0x54: {  	_ =	shalt  }
0x55: {  	_ =	shalt  }
0x56: {  	_ =	shalt  }
0x57: {  	_ =	shalt  }
0x58: {  	_ =	shalt  }
0x59: {  	_ =	shalt  }
0x5a: {  	_ =	shalt  }
0x5b: {  	_ =	shalt  }
0x5c: {  	_ =	shalt  }
0x5d: {  	_ =	shalt  }
0x5e: {  	_ =	shalt  }
0x5f: {  	_ =	shalt  }
0x60: {  	_ =	shalt  }
0x61: {  	_ =	shalt  }
0x62: {  	_ =	shalt  }
0x63: {  	_ =	shalt  }
0x64: {  	_ =	shalt  }
0x65: {  	_ =	shalt  }
0x66: {  	_ =	shalt  }
0x67: {  	_ =	shalt  }
0x68: {  	_ =	shalt  }
0x69: {  	_ =	shalt  }
0x6a: {  	_ =	shalt  }
0x6b: {  	_ =	shalt  }
0x6c: {  	_ =	shalt  }
0x6d: {  	_ =	shalt  }
0x6e: {  	_ =	shalt  }
0x6f: {  	_ =	shalt  }
0x70: {  	_ =	shalt  }
0x71: {  	_ =	shalt  }
0x72: {  	_ =	shalt  }
0x73: {  	_ =	shalt  }
0x74: {  	_ =	shalt  }
0x75: {  	_ =	shalt  }
0x76: {  	_ =	shalt  }
0x77: {  	_ =	shalt  }
0x78: {  	_ =	shalt  }
0x79: {  	_ =	shalt  }
0x7a: {  	_ =	shalt  }
0x7b: {  	_ =	shalt  }
0x7c: {  	_ =	shalt  }
0x7d: {  	_ =	shalt  }
0x7e: {  	_ =	shalt  }
0x7f: {  	_ =	shalt  }
0x80: {  	_ =	shalt  }
0x81: {  	_ =	shalt  }
0x82: {  	_ =	shalt  }
0x83: {  	_ =	shalt  }
0x84: {  	_ =	shalt  }
0x85: {  	_ =	shalt  }
0x86: {  	_ =	shalt  }
0x87: {  	_ =	shalt  }
.Lfunc_end0:
.L_simem_size_0:
called_computation_lowered:
.L_overlay_start_0:
0x88: {  	s2 =	sld [smem:$0x3FD9]  }
0x89: {  	s3 =	sld [smem:$0x3FFE];
	_ =	sdelay $0x1  }
0x8a: {  	s1 =	srdreg.scid  }
0x8b: {  	s0 =	sand.u32 $0x1, s1  }
0x8c: {  	s17 =	sshll.u32 s0, $0xA;
	s2 =	sadd.s32 s3, s2  }
0x8d: {  	s2 =	sadd.s32 s2, s17  }
0x8e: {  	[smem:$0x3FC6] =	sst s2  }
0x8f: {  	_ = 	snop  }
0x90: {  	s2 =	sld [smem:$0x3FC8]  }
0x91: {  	s18 =	sld [smem:$0x3FD0];
	(tm) =	ssettm $0x1  }
0x92: {  	s4 =	sld [smem:$0x3FFB];
	_ =	sdelay $0x3  }
0x93: {  	_ =	strace s4  }
0x94: {  	s4 =	sld [smem:$0x3FFC];
	_ =	sdelay $0x3  }
0x95: {  	_ =	strace s4  }
0x96: {  	s4 =	sld [smem:$0x3FFD];
	_ =	sdelay $0x3  }
0x97: {  	_ =	strace s4  }
0x98: {  	_ =	strace $0x8FFFFFFF  }
0x99: {  	s19 =	sld [smem:$0x3FDB];
	_ =	sdelay $0x1  }
0x9a: {  	s5 =	simm.s32 $_scs_section_size  }
0x9b: {  	s6 =	simm.s32 $_size__tile_overlayer_lowered;
	s7 =	simm.s32 $_tile_overlayer_lowered  }
0x9c: {  	s22 =	simm.s32 $0x1BFF;
	s21 =	sshll.u32 s7, $0x1;
	s4 =	sadd.s32 s5, s19  }
0x9d: {  	s8 =	simm.s32 $0x0;
	s20 =	sshll.u32 s6, $0x1;
	s6 =	sadd.s32 s21, s4  }
0x9e: {  	[timem:s8], [sflag:s22] =	dma.local [hbm:s6], s20  }
0x9f: {  	_ =	swait.ge [sflag:s22], s20  }
0xa0: {  	s5 =	ssub.s32 $0x0, s20;
	[sflag:s22] =	ssyncset.done $0x0  }
0xa1: {  	[sflag:s22] =	ssyncadd.s32 s5;
	_ =	sdelay $0x1  }
0xa2: {  	s23 =	simm.s32 $0x1B8B  }
0xa3: {  	_ =	swait.ge [sflag:s23], $0x1  }
0xa4: {  	[sflag:s23] =	ssyncset.done $0x0  }
0xa5: {  	s25 =	simm.s32 $0x1B8E;
	s24 =	sld [smem:$0x3FFE];
	[sflag:s23] =	ssyncadd.s32 $0xFFFFFFFF  }
0xa6: {  	s26 =	simm.s32 $execute0_lowered;
	[smem:$0x3FD2] =	sst s25  }
0xa7: {  	s6 =	sshll.u32 s26, $0x1;
	_ =	strace $0x80000046;
	[dreg:$0x1] =	wrdreg $0xFFFFFFFF  }
0xa8: {  	s28 =	simm.s32 $_size_execute0_lowered;
	s4 =	sadd.s32 s4, s6;
	[dreg:$0x0] =	wrdreg $0x0  }
0xa9: {  	s6 =	sshll.u32 s28, $0x1;
	[dreg:$0x2] =	wrdreg s4  }
0xaa: {  	[dreg:$0x3] =	wrdreg s6  }
0xab: {  	[dreg:$0x4] =	wrdreg $0xC0  }
0xac: {  	_ =	task [dreg:s8], $0x5FFFF  }
0xad: {  	[dreg:$0x1] =	wrdreg $0xFFFFFFFF  }
0xae: {  	[dreg:$0x0] =	wrdreg $0x60  }
0xaf: {  	[dreg:$0x2] =	wrdreg s24  }
0xb0: {  	[dreg:$0x3] =	wrdreg s2  }
0xb1: {  	[dreg:$0x4] =	wrdreg s18  }
0xb2: {  	[dreg:$0x5] =	wrdreg $0x9  }
0xb3: {  	_ =	task.clear_ibuf [dreg:s8], $0x6FFFF;
	_ =	strace $0x90000046  }
0xb4: {  	s29 =	simm.s32 $0x9;
	_ =	strace $0x80000048  }
0xb5: {  	_ =	swait.ge [sflag:s29], $0x1  }
0xb6: {  	[sflag:s29] =	ssyncadd.s32 $0xFFFFFFFF  }
0xb7: {  	_ =	strace $0x90000048  }
0xb8: {  	_ =	sfence  }
0xb9: {  	s30 =	sld [smem:$0x0];
	_ =	sdelay $0x2  }
0xba: {  	s31 =	sshll.u32 s1, $0xD;
	s1 =	sshrl.u32 s1, $0x2  }
0xbb: {  	s3 =	sand.u32 $0x4000, s31;
	s1 =	sadd.s32 s1, s30  }
0xbc: {  	s0 =	sor.u32 s3, s0;
	s1 =	sshll.u32 s1, $0x11  }
0xbd: {  	s0 =	sor.u32 s1, s0  }
0xbe: {  	s0 =	sadd.s32 $0x8F2B, s0  }
0xbf: {  	[sflag:s0] =	ssyncadd.remote.s32 $0x1  }
0xc0: {  	_ =	sfence.sel $0xFFFF  }
0xc1: {  	[dreg:$0x0] =	wrdreg $0xFFFFFFFF;
	(pc) =	sbr.abs _section_cstart, $3  }
0xc2: {  	[dreg:$0x1] =	wrdreg $0xFFFFFFFF  }
0xc3: {  	_ =	task.clear_ibuf [dreg:s8], $0x2FFFF;
	_ =	strace $0x9FFFFFFF  }
0xc4: {  	(tm) =	ssettm $0x7FFFFFFF  }
0xc5: {  	_ =	shalt  }
tec
execute0_lowered:
.L_overlay_start_1:
0x0: {  	(tag) =	ssettag $0x1  }
0x1: {  	s1 =	srdreg.scid;
	s0 =	stileid.u32  }
0x2: {  	s5 =	rddreg [dreg:$0x0];
	s16 =	sand.u32 $0x1, s1;
	s31 =	sshll.u32 s0, $0x1  }
0x3: {  	s13 =	rddreg [dreg:$0x1];
	s8 =	sor.u32 s16, s31  }
0x4: {  	s10 =	rddreg [dreg:$0x2];
	s14 =	smul.u32 $0x1388, s8  }
0x5: {  	s2 =	simm.s32 $0x0;
	s1 =	rddreg [dreg:$0x3]  }
0x6: {  	[smem:$0x7FF] =	sst s2;
	s3 =	sshrl.u32 s14, $0x3  }
0x7: {  	_ =	strace $0x80000047;
	s4 =	sadd.s32 s13, s3;
	s3 =	simm.s32 $0x2  }
0x8: {  	[tilespmem:s2], [sflag:$0x2] =	stream.linear.gather [hbm4b:s4+s2], $0x3E8, $0x38;
	[tilespmem:$0xBF68] =	vst v63  }
0x9: {  	_ =	swait.ge [sflag:s3], $0x3E8  }
0xa: {  	s6 =	simm.s32 $0x3E8;
	[sflag:s3] =	ssyncset.done $0x0  }
0xb: {  	s7 =	simm.s32 $0x1;
	s5 =	sadd.s32 $0x400, s5;
	[sflag:s3] =	ssyncadd.s32 $0xFFFFFC18  }
0xc: {  	[tilespmem:s6], [sflag:$0x1] =	stream.indirect.gather [hbm4b:s5+s6], $0x30, s2, s6, $0xb8;
	[tilespmem:$0xBF68] =	vst v63  }
0xd: {  	s8 =	smul.u32 $0x7530, s8;
	_ =	swait.ge [sflag:s7], $0xBB80  }
0xe: {  	[sflag:s7] =	ssyncset.done $0x0  }
0xf: {  	s8 =	sadd.s32 s10, s8;
	[sflag:s7] =	ssyncadd.s32 $0xFFFF4480  }
0x10: {  	[hbm4b:s8+s2] =	stream.linear.scatter [tilespmem:s6], [sflag:$0x2], $0xBB80, $0x38;
	[tilespmem:$0xBF68] =	vst v63  }
0x11: {  	s11 =	sadd.s32 $0x3E8, s14;
	_ =	swait.ge [sflag:s3], $0xBB80  }
0x12: {  	s9 =	sshrl.u32 s11, $0x3;
	[sflag:s3] =	ssyncset.done $0x0  }
0x13: {  	s9 =	sadd.s32 s13, s9;
	[sflag:s3] =	ssyncadd.s32 $0xFFFF4480  }
0x14: {  	[tilespmem:s2], [sflag:$0x2] =	stream.linear.gather [hbm4b:s9+s2], $0x3E8, $0x38;
	[tilespmem:$0xBF68] =	vst v63  }
0x15: {  	_ =	swait.ge [sflag:s3], $0x3E8  }
0x16: {  	[sflag:s3] =	ssyncset.done $0x0  }
0x17: {  	[sflag:s3] =	ssyncadd.s32 $0xFFFFFC18  }
0x18: {  	[tilespmem:s6], [sflag:$0x1] =	stream.indirect.gather [hbm4b:s5+s6], $0x30, s2, s6, $0xb8;
	[tilespmem:$0xBF68] =	vst v63  }
0x19: {  	s11 =	smul.u32 $0x6, s11;
	_ =	swait.ge [sflag:s7], $0xBB80  }
0x1a: {  	[sflag:s7] =	ssyncset.done $0x0  }
0x1b: {  	s10 =	sadd.s32 s10, s11;
	[sflag:s7] =	ssyncadd.s32 $0xFFFF4480  }
0x1c: {  	[hbm4b:s10+s2] =	stream.linear.scatter [tilespmem:s6], [sflag:$0x2], $0xBB80, $0x38;
	[tilespmem:$0xBF68] =	vst v63  }
0x1d: {  	_ =	swait.ge [sflag:s3], $0xBB80  }
0x1e: {  	[sflag:s3] =	ssyncset.done $0x0  }
0x1f: {  	s11 =	sadd.s32 $0xFA, s4;
	[sflag:s3] =	ssyncadd.s32 $0xFFFF4480  }
0x20: {  	[tilespmem:s2], [sflag:$0x2] =	stream.linear.gather [hbm4b:s11+s2], $0x3E8, $0x38;
	[tilespmem:$0xBF68] =	vst v63  }
0x21: {  	_ =	swait.ge [sflag:s3], $0x3E8  }
0x22: {  	[sflag:s3] =	ssyncset.done $0x0  }
0x23: {  	[sflag:s3] =	ssyncadd.s32 $0xFFFFFC18  }
0x24: {  	[tilespmem:s6], [sflag:$0x1] =	stream.indirect.gather [hbm4b:s5+s6], $0x30, s2, s6, $0xb8;
	[tilespmem:$0xBF68] =	vst v63  }
0x25: {  	_ =	swait.ge [sflag:s7], $0xBB80  }
0x26: {  	[sflag:s7] =	ssyncset.done $0x0  }
0x27: {  	s12 =	sadd.s32 $0x2EE0, s8;
	[sflag:s7] =	ssyncadd.s32 $0xFFFF4480  }
0x28: {  	[hbm4b:s12+s2] =	stream.linear.scatter [tilespmem:s6], [sflag:$0x2], $0xBB80, $0x38;
	[tilespmem:$0xBF68] =	vst v63  }
0x29: {  	s14 =	sadd.s32 $0xBB8, s14;
	_ =	swait.ge [sflag:s3], $0xBB80  }
0x2a: {  	s14 =	sshrl.u32 s14, $0x3;
	[sflag:s3] =	ssyncset.done $0x0  }
0x2b: {  	s13 =	sadd.s32 s13, s14;
	[sflag:s3] =	ssyncadd.s32 $0xFFFF4480  }
0x2c: {  	[tilespmem:s2], [sflag:$0x2] =	stream.linear.gather [hbm4b:s13+s2], $0x3E8, $0x38;
	[tilespmem:$0xBF68] =	vst v63  }
0x2d: {  	_ =	swait.ge [sflag:s3], $0x3E8  }
0x2e: {  	[sflag:s3] =	ssyncset.done $0x0  }
0x2f: {  	[sflag:s3] =	ssyncadd.s32 $0xFFFFFC18  }
0x30: {  	[tilespmem:s6], [sflag:$0x1] =	stream.indirect.gather [hbm4b:s5+s6], $0x30, s2, s6, $0xb8;
	[tilespmem:$0xBF68] =	vst v63  }
0x31: {  	_ =	swait.ge [sflag:s7], $0xBB80  }
0x32: {  	[sflag:s7] =	ssyncset.done $0x0  }
0x33: {  	s14 =	sadd.s32 $0x4650, s8;
	[sflag:s7] =	ssyncadd.s32 $0xFFFF4480  }
0x34: {  	[hbm4b:s14+s2] =	stream.linear.scatter [tilespmem:s6], [sflag:$0x2], $0xBB80, $0x38;
	[tilespmem:$0xBF68] =	vst v63  }
0x35: {  	_ =	swait.ge [sflag:s3], $0xBB80  }
0x36: {  	[sflag:s3] =	ssyncset.done $0x0  }
0x37: {  	s16 =	ssub.s32 $0x2, s16;
	s15 =	sadd.s32 $0x1F4, s4;
	[sflag:s3] =	ssyncadd.s32 $0xFFFF4480  }
0x38: {  	[tilespmem:s2], [sflag:$0x2] =	stream.linear.gather [hbm4b:s15+s2], $0x3E8, $0x38;
	[tilespmem:$0xBF68] =	vst v63  }
0x39: {  	s17 =	sshrl.u32 s16, $0x1;
	_ =	swait.ge [sflag:s3], $0x3E8  }
0x3a: {  	s17 =	ssub.s32 s16, s17;
	[sflag:s3] =	ssyncset.done $0x0  }
0x3b: {  	s17 =	smax.u32 s17, $0x1;
	[sflag:s3] =	ssyncadd.s32 $0xFFFFFC18  }
0x3c: {  	[tilespmem:s6], [sflag:$0x1] =	stream.indirect.gather [hbm4b:s5+s6], $0x30, s2, s6, $0xb8;
	[tilespmem:$0xBF68] =	vst v63  }
0x3d: {  	p0 =	sne.s32 s17, $0x1;
	_ =	swait.ge [sflag:s7], $0xBB80  }
.Ltmp0:
0x3e: {  	[sflag:s7] =	ssyncset.done $0x0;
	(pc) =	sbr.rel @!p0 .LBB2_2-.Ltmp0, $4  }
0x3f: {  	s16 =	sadd.s32 $0x5DC0, s8;
	[sflag:s7] =	ssyncadd.s32 $0xFFFF4480  }
0x40: {  	[hbm4b:s16+s2] =	stream.linear.scatter [tilespmem:s6], [sflag:$0x2], $0xBB80, $0x38;
	[tilespmem:$0xBF68] =	vst v63  }
0x41: {  	_ =	swait.ge [sflag:s3], $0xBB80  }
0x42: {  	s17 =	sadd.s32 $0xFFFFFFFF, s17;
	[sflag:s3] =	ssyncset.done $0x0  }
.LBB2_1:
0x43: {  	p0 =	sne.s32 s17, $0x1;
	s17 =	sadd.s32 $0xFFFFFFFF, s17;
	[sflag:s3] =	ssyncadd.s32 $0xFFFF4480  }
0x44: {  	[tilespmem:s2], [sflag:$0x2] =	stream.linear.gather [hbm4b:s4+s2], $0x3E8, $0x38;
	[tilespmem:$0xBF68] =	vst v63  }
0x45: {  	_ =	swait.ge [sflag:s3], $0x3E8  }
0x46: {  	[sflag:s3] =	ssyncset.done $0x0  }
0x47: {  	[sflag:s3] =	ssyncadd.s32 $0xFFFFFC18  }
0x48: {  	[tilespmem:s6], [sflag:$0x1] =	stream.indirect.gather [hbm4b:s5+s6], $0x30, s2, s6, $0xb8;
	[tilespmem:$0xBF68] =	vst v63  }
0x49: {  	_ =	swait.ge [sflag:s7], $0xBB80  }
0x4a: {  	[sflag:s7] =	ssyncset.done $0x0  }
0x4b: {  	[sflag:s7] =	ssyncadd.s32 $0xFFFF4480  }
0x4c: {  	[hbm4b:s8+s2] =	stream.linear.scatter [tilespmem:s6], [sflag:$0x2], $0xBB80, $0x38;
	[tilespmem:$0xBF68] =	vst v63  }
0x4d: {  	_ =	swait.ge [sflag:s3], $0xBB80  }
0x4e: {  	[sflag:s3] =	ssyncset.done $0x0  }
0x4f: {  	[sflag:s3] =	ssyncadd.s32 $0xFFFF4480  }
0x50: {  	[tilespmem:s2], [sflag:$0x2] =	stream.linear.gather [hbm4b:s9+s2], $0x3E8, $0x38;
	[tilespmem:$0xBF68] =	vst v63  }
0x51: {  	_ =	swait.ge [sflag:s3], $0x3E8  }
0x52: {  	[sflag:s3] =	ssyncset.done $0x0  }
0x53: {  	[sflag:s3] =	ssyncadd.s32 $0xFFFFFC18  }
0x54: {  	[tilespmem:s6], [sflag:$0x1] =	stream.indirect.gather [hbm4b:s5+s6], $0x30, s2, s6, $0xb8;
	[tilespmem:$0xBF68] =	vst v63  }
0x55: {  	_ =	swait.ge [sflag:s7], $0xBB80  }
0x56: {  	[sflag:s7] =	ssyncset.done $0x0  }
0x57: {  	[sflag:s7] =	ssyncadd.s32 $0xFFFF4480  }
0x58: {  	[hbm4b:s10+s2] =	stream.linear.scatter [tilespmem:s6], [sflag:$0x2], $0xBB80, $0x38;
	[tilespmem:$0xBF68] =	vst v63  }
0x59: {  	_ =	swait.ge [sflag:s3], $0xBB80  }
0x5a: {  	[sflag:s3] =	ssyncset.done $0x0  }
0x5b: {  	[sflag:s3] =	ssyncadd.s32 $0xFFFF4480  }
0x5c: {  	[tilespmem:s2], [sflag:$0x2] =	stream.linear.gather [hbm4b:s11+s2], $0x3E8, $0x38;
	[tilespmem:$0xBF68] =	vst v63  }
0x5d: {  	_ =	swait.ge [sflag:s3], $0x3E8  }
0x5e: {  	[sflag:s3] =	ssyncset.done $0x0  }
0x5f: {  	[sflag:s3] =	ssyncadd.s32 $0xFFFFFC18  }
0x60: {  	[tilespmem:s6], [sflag:$0x1] =	stream.indirect.gather [hbm4b:s5+s6], $0x30, s2, s6, $0xb8;
	[tilespmem:$0xBF68] =	vst v63  }
0x61: {  	_ =	swait.ge [sflag:s7], $0xBB80  }
0x62: {  	[sflag:s7] =	ssyncset.done $0x0  }
0x63: {  	[sflag:s7] =	ssyncadd.s32 $0xFFFF4480  }
0x64: {  	[hbm4b:s12+s2] =	stream.linear.scatter [tilespmem:s6], [sflag:$0x2], $0xBB80, $0x38;
	[tilespmem:$0xBF68] =	vst v63  }
0x65: {  	_ =	swait.ge [sflag:s3], $0xBB80  }
0x66: {  	[sflag:s3] =	ssyncset.done $0x0  }
0x67: {  	[sflag:s3] =	ssyncadd.s32 $0xFFFF4480  }
0x68: {  	[tilespmem:s2], [sflag:$0x2] =	stream.linear.gather [hbm4b:s13+s2], $0x3E8, $0x38;
	[tilespmem:$0xBF68] =	vst v63  }
0x69: {  	_ =	swait.ge [sflag:s3], $0x3E8  }
0x6a: {  	[sflag:s3] =	ssyncset.done $0x0  }
0x6b: {  	[sflag:s3] =	ssyncadd.s32 $0xFFFFFC18  }
0x6c: {  	[tilespmem:s6], [sflag:$0x1] =	stream.indirect.gather [hbm4b:s5+s6], $0x30, s2, s6, $0xb8;
	[tilespmem:$0xBF68] =	vst v63  }
0x6d: {  	_ =	swait.ge [sflag:s7], $0xBB80  }
0x6e: {  	[sflag:s7] =	ssyncset.done $0x0  }
0x6f: {  	[sflag:s7] =	ssyncadd.s32 $0xFFFF4480  }
0x70: {  	[hbm4b:s14+s2] =	stream.linear.scatter [tilespmem:s6], [sflag:$0x2], $0xBB80, $0x38;
	[tilespmem:$0xBF68] =	vst v63  }
0x71: {  	_ =	swait.ge [sflag:s3], $0xBB80  }
0x72: {  	[sflag:s3] =	ssyncset.done $0x0  }
0x73: {  	[sflag:s3] =	ssyncadd.s32 $0xFFFF4480  }
0x74: {  	[tilespmem:s2], [sflag:$0x2] =	stream.linear.gather [hbm4b:s15+s2], $0x3E8, $0x38;
	[tilespmem:$0xBF68] =	vst v63  }
0x75: {  	_ =	swait.ge [sflag:s3], $0x3E8  }
0x76: {  	[sflag:s3] =	ssyncset.done $0x0  }
0x77: {  	[sflag:s3] =	ssyncadd.s32 $0xFFFFFC18  }
0x78: {  	[tilespmem:s6], [sflag:$0x1] =	stream.indirect.gather [hbm4b:s5+s6], $0x30, s2, s6, $0xb8;
	[tilespmem:$0xBF68] =	vst v63  }
0x79: {  	_ =	swait.ge [sflag:s7], $0xBB80  }
.Ltmp1:
0x7a: {  	[sflag:s7] =	ssyncset.done $0x0;
	(pc) =	sbr.rel @p0 .LBB2_1-.Ltmp1, $4  }
0x7b: {  	[sflag:s7] =	ssyncadd.s32 $0xFFFF4480  }
0x7c: {  	[hbm4b:s16+s2] =	stream.linear.scatter [tilespmem:s6], [sflag:$0x2], $0xBB80, $0x38;
	[tilespmem:$0xBF68] =	vst v63  }
0x7d: {  	_ =	swait.ge [sflag:s3], $0xBB80  }
0x7e: {  	[sflag:s3] =	ssyncset.done $0x0  }
.LBB2_2:
0x7f: {  	[sflag:s3] =	ssyncadd.s32 $0xFFFF4480  }
0x80: {  	_ =	sfence.sel $0x180000  }
0x81: {  	[bflag:$0x0] =	sbarrier.arrive $0xFFFF  }
0x82: {  	p0 =	sne.s32 s0, $0x0;
	_ =	strace $0x90000047  }
0x83: {  	s0 =	sadd.s32 @!p0 $0x100000, s1;
	[bflag:$0x2] =	sbarrier.arrive $0xFFFF  }
0x84: {  	[sflag:s0] =	ssyncadd.tile.s32 @!p0 $0x1;
	_ =	shalt  }
.Lfunc_end2:
_tile_overlayer_lowered:
.L_overlay_start_2:
0x85: {  	(tag) =	ssettag $0x2  }
0x86: {  	s0 =	rddreg [dreg:$0x0];
	s2 =	stileid.u32  }
0x87: {  	s1 =	rddreg [dreg:$0x1];
	p0 =	sne.s32 s2, $0x0  }
0x88: {  	s3 =	rddreg [dreg:$0x2];
	[bflag:$0x3] =	sbarrier.arrive $0xFFFF;
	s2 =	simm.s32 @!p0 $0x1C02  }
0x89: {  	[timem:s3], [sflag:s2] =	dma.local @!p0 [hbm:s0], s1  }
0x8a: {  	s0 =	simm.s32 @!p0 $0x2  }
0x8b: {  	_ =	swait.ge @!p0 [sflag:s0], s1  }
0x8c: {  	s1 =	ssub.s32 @!p0 $0x0, s1;
	[sflag:s0] =	ssyncset.done @!p0 $0x0  }
0x8d: {  	[sflag:s0] =	ssyncadd.s32 @!p0 s1  }
0x8e: {  	[bflag:$0x3] =	sbarrier.arrive $0xFFFF  }
0x8f: {  	_ =	shalt  }

</sc_bundles>
